<compile_context>
chip_gen: v7x
topology: tpu7x:2x2x1
jax: 0.10.2.dev20260603
libtpu: 0.0.44.dev20260713+nightly
codegen_flags: <defaults>
</compile_context>

<pallas_src>
import jax
import jax.numpy as jnp
from jax import lax
from jax.experimental import pallas as pl
from jax.experimental.pallas import tpu as pltpu
from jax.experimental.pallas import tpu_sc as plsc

_ROWS = 128
_N = 32768
_K = 64
_L = 16
_NVEC = _N // _L
_NC = 2
_NS = 16
_NW = _NC * _NS
_RPW = _ROWS // _NW
_NFINE = 4096
_RS = 24
_INT_MIN = jnp.int32(-2147483647 - 1)


def _keyify(v):
    u = lax.bitcast_convert_type(v, jnp.int32)
    return jnp.where(u >= 0, u, u ^ jnp.int32(0x7FFFFFFF))


def _popcount(mask):
    r = plsc.all_reduce_population_count(mask)
    return r[0] if r.ndim else r


def _klo_of_bin(p20):
    return jnp.where(p20 == -2048, _INT_MIN, (p20 << 20) - 1)


def _chunk_step(hist, base, acc, kneed, lanes, zeros):
    v = hist[pl.ds(base, _L)]
    hist[pl.ds(base, _L)] = zeros
    cs = jnp.cumsum(jnp.flip(v, 0))
    i0 = _popcount(acc + cs < kneed)
    cs_prev = jnp.sum(jnp.where(lanes == i0 - 1, cs, 0))
    return cs, i0, cs_prev


def _scan_desc(hist, kneed, nchunks):
    lanes = lax.iota(jnp.int32, _L)
    zeros = jnp.zeros((_L,), jnp.int32)

    def step(c, carry):
        acc, found, bstar, kp = carry
        base = (nchunks - 1 - c) * _L
        cs, i0, cs_prev = _chunk_step(hist, base, acc, kneed, lanes, zeros)
        hit = i0 < _L
        upd = jnp.logical_and(hit, found == 0)
        bstar = jnp.where(upd, base + _L - 1 - i0, bstar)
        kp = jnp.where(upd, kneed - acc - cs_prev, kp)
        found = jnp.where(hit, jnp.int32(1), found)
        acc = acc + cs[_L - 1]
        return acc, found, bstar, kp

    init = (jnp.int32(0), jnp.int32(0), jnp.int32(0), jnp.int32(0))
    _, _, bstar, kp = lax.fori_loop(0, nchunks, step, init)
    return bstar, kp


def _scan_fine(hist, kneed, cstart):
    lanes = lax.iota(jnp.int32, _L)
    zeros = jnp.zeros((_L,), jnp.int32)

    def cond(carry):
        return jnp.logical_and(carry[1] == 0, carry[0] >= 0)

    def body(carry):
        c, found, acc, bstar, kp = carry
        base = c * _L
        cs, i0, cs_prev = _chunk_step(hist, base, acc, kneed, lanes, zeros)
        hit = i0 < _L
        bstar = jnp.where(hit, base + _L - 1 - i0, bstar)
        kp = jnp.where(hit, kneed - acc - cs_prev, kp)
        found = jnp.where(hit, jnp.int32(1), found)
        return c - 1, found, acc + cs[_L - 1], bstar, kp

    init = (cstart, jnp.int32(0), jnp.int32(0), jnp.int32(0), jnp.int32(0))
    _, _, _, bstar, kp = lax.while_loop(cond, body, init)
    return bstar, kp


def _sc_body(x_hbm, out_hbm, buf0, buf1, cand, histf, histc, si0, si1, so0, so1):
    lanes = lax.iota(jnp.int32, _L)
    ones = jnp.ones((_L,), jnp.int32)
    zeros = jnp.zeros((_L,), jnp.int32)
    wid = lax.axis_index("s") * _NC + lax.axis_index("c")
    row0 = wid * _RPW

    def clrf(i, c):
        histf[pl.ds(i * _L, _L)] = zeros
        return c
    lax.fori_loop(0, _NFINE // _L, clrf, 0)

    def clrc(i, c):
        histc[pl.ds(i * _L, _L)] = zeros
        return c
    lax.fori_loop(0, 16, clrc, 0)

    def process(buf, row):
        pass

    bufs = (buf0, buf1)
    sin = (si0, si1)
    sout = (so0, so1)
    in_h = [None] * _RPW
    out_h = [None] * _RPW
    in_h[0] = pltpu.async_copy(x_hbm.at[row0], buf0, si0)
    for r in range(_RPW):
        b = bufs[r % 2]
        if r + 1 < _RPW:
            if r >= 1:
                out_h[r - 1].wait()
            in_h[r + 1] = pltpu.async_copy(
                x_hbm.at[row0 + r + 1], bufs[(r + 1) % 2], sin[(r + 1) % 2])
        in_h[r].wait()
        process(b, row0 + r)
        out_h[r] = pltpu.async_copy(b, out_hbm.at[row0 + r], sout[r % 2])
    out_h[_RPW - 2].wait()
    out_h[_RPW - 1].wait()


@jax.jit
def kernel(x):
    mesh = plsc.VectorSubcoreMesh(core_axis_name="c", subcore_axis_name="s")
    run = pl.kernel(
        _sc_body,
        out_type=jax.ShapeDtypeStruct((_ROWS, _N), jnp.float32),
        mesh=mesh,
        scratch_types=[
            pltpu.VMEM((_N,), jnp.float32),
            pltpu.VMEM((_N,), jnp.float32),
            pltpu.VMEM((_N + _L,), jnp.int32),
            pltpu.VMEM((_NFINE,), jnp.int32),
            pltpu.VMEM((256,), jnp.int32),
            pltpu.SemaphoreType.DMA,
            pltpu.SemaphoreType.DMA,
            pltpu.SemaphoreType.DMA,
            pltpu.SemaphoreType.DMA,
        ],
        compiler_params=pltpu.CompilerParams(needs_layout_passes=False),
    )
    return run(x)

# --- scband reference (transcript-rebuilt; emitter-appended) ---
"""Pipeline reference for scband-top-k-7713761264047 (READ-ONLY COPY).

The authoritative reference and input builder live on the scoring server;
editing this copy changes nothing except your own understanding.
"""

import jax, jax.numpy as jnp
import numpy as np

K = 64

def setup_inputs(seed: int = 0) -> dict:
    key = jax.random.key(seed)
    x = jax.random.normal(key, (128, 32768), dtype=jnp.float32)
    return {"x": x}

def reference(x):
    # 1) top-k along last dim (unsorted in torch; order irrelevant for scatter result)
    topk_values, topk_indices = jax.lax.top_k(x, K)
    # 2) ReLU on the top-k values
    values = jnp.maximum(topk_values, 0.0)
    # 3) zero everywhere else: scatter values back at topk_indices along last dim
    batch = x.shape[0]
    row_idx = jnp.arange(batch)[:, None]
    result = jnp.zeros_like(x).at[row_idx, topk_indices].set(values)
    return result

if __name__ == "__main__":
    import jax
    _d = setup_inputs()
    print(jax.jit(kernel)(*tuple(_d.values())))

</pallas_src>

<mosaic_0001>
#map = affine_map<(d0, d1) -> (0, 0)>
module attributes {stable_mosaic.version = 14 : i64} {
  func.func @_sc_body(%arg0: i32, %arg1: i32, %arg2: memref<128x32768xf32, #tpu.memory_space<hbm>>, %arg3: memref<128x32768xf32, #tpu.memory_space<hbm>>, %arg4: memref<32768xf32, #tpu.memory_space<vmem>>, %arg5: memref<32768xf32, #tpu.memory_space<vmem>>, %arg6: memref<32784xi32, #tpu.memory_space<vmem>>, %arg7: memref<4096xi32, #tpu.memory_space<vmem>>, %arg8: memref<256xi32, #tpu.memory_space<vmem>>, %arg9: memref<!tpu.dma_semaphore, #tpu.memory_space<semaphore_mem>>, %arg10: memref<!tpu.dma_semaphore, #tpu.memory_space<semaphore_mem>>, %arg11: memref<!tpu.dma_semaphore, #tpu.memory_space<semaphore_mem>>, %arg12: memref<!tpu.dma_semaphore, #tpu.memory_space<semaphore_mem>>) attributes {dimension_semantics = [#tpu.dimension_semantics<core_parallel>, #tpu.dimension_semantics<subcore_parallel>], iteration_bounds = array<i64: 2, 16>, scalar_prefetch = 0 : i64, scratch_operands = 9 : i64, tpu.core_type = #tpu.core_type<sc_vector_subcore>, window_params = [{transform_indices = #map}, {transform_indices = #map}]} {
    %iota3A = tpu.iota {dimensions = array<i32: 0>} : vector<16xi32>
    %broadcast_in_dim3A = arith.constant 1 : i32
    %broadcast_in_dim3A_0 = vector.broadcast %broadcast_in_dim3A : i32 to vector<16xi32>
    %broadcast_in_dim3A_1 = arith.constant 0 : i32
    %broadcast_in_dim3A_2 = vector.broadcast %broadcast_in_dim3A_1 : i32 to vector<16xi32>
    %mul3A = arith.constant 2 : i32
    %mul3A_3 = arith.muli %arg1, %mul3A : i32
    %add3A = arith.addi %mul3A_3, %arg0 : i32
    %mul3A_4 = arith.constant 4 : i32
    %mul3A_5 = arith.muli %add3A, %mul3A_4 : i32
    %scan3A = arith.constant 0 : i32
    %scan3A_6 = arith.constant 0 : i32
    %scan3A_7 = arith.constant 256 : i32
    %scan3A_8 = arith.addi %scan3A_6, %scan3A_7 : i32
    %scan3A_9 = arith.constant 1 : i32
    scf.for %scan3A_139 = %scan3A_6 to %scan3A_8 step %scan3A_9  : i32 {
      %mul3A_140 = arith.constant 16 : i32
      %mul3A_141 = arith.muli %scan3A_139, %mul3A_140 : i32
      %swap3A = arith.index_cast %mul3A_141 : i32 to index
      %swap3A_142 = tpu.vector_load %arg7[%swap3A] {strides = array<i32>} : memref<4096xi32, #tpu.memory_space<vmem>>, vector<16xi32>,
      tpu.vector_store %arg7[%swap3A], %broadcast_in_dim3A_2 {strides = array<i32>} : memref<4096xi32, #tpu.memory_space<vmem>>, vector<16xi32>,
    }
    %scan3A_10 = arith.constant 256 : i32
    %scan3A_11 = arith.constant 0 : i32
    %scan3A_12 = arith.constant 0 : i32
    %scan3A_13 = arith.constant 16 : i32
    %scan3A_14 = arith.addi %scan3A_12, %scan3A_13 : i32
    %scan3A_15 = arith.constant 1 : i32
    scf.for %scan3A_139 = %scan3A_12 to %scan3A_14 step %scan3A_15  : i32 {
      %mul3A_140 = arith.constant 16 : i32
      %mul3A_141 = arith.muli %scan3A_139, %mul3A_140 : i32
      %swap3A = arith.index_cast %mul3A_141 : i32 to index
      %swap3A_142 = tpu.vector_load %arg8[%swap3A] {strides = array<i32>} : memref<256xi32, #tpu.memory_space<vmem>>, vector<16xi32>,
      tpu.vector_store %arg8[%swap3A], %broadcast_in_dim3A_2 {strides = array<i32>} : memref<256xi32, #tpu.memory_space<vmem>>, vector<16xi32>,
    }
    %scan3A_16 = arith.constant 16 : i32
    %dma_start3A = arith.constant 0 : i32
    %dma_start3A_17 = tpu.memref_slice %arg2[%mul3A_5, %dma_start3A] : memref<128x32768xf32, #tpu.memory_space<hbm>> -> memref<1x32768xf32, #tpu.memory_space<hbm>>
    %dma_start3A_18 = tpu.memref_squeeze %dma_start3A_17 : memref<1x32768xf32, #tpu.memory_space<hbm>> -> memref<32768xf32, #tpu.memory_space<hbm>>
    %dma_start3A_19 = arith.constant 0 : i32
    %dma_start3A_20 = tpu.memref_slice %arg2[%mul3A_5, %dma_start3A_19] : memref<128x32768xf32, #tpu.memory_space<hbm>> -> memref<1x32768xf32, #tpu.memory_space<hbm>>
    %dma_start3A_21 = tpu.memref_squeeze %dma_start3A_20 : memref<1x32768xf32, #tpu.memory_space<hbm>> -> memref<32768xf32, #tpu.memory_space<hbm>>
    tpu.enqueue_dma source(%dma_start3A_21 : memref<32768xf32, #tpu.memory_space<hbm>>) target(%arg4 : memref<32768xf32, #tpu.memory_space<vmem>>) target_semaphore(%arg9 : memref<!tpu.dma_semaphore, #tpu.memory_space<semaphore_mem>>)
    %add3A_22 = arith.constant 0 : i32
    %add3A_23 = arith.addi %mul3A_5, %add3A_22 : i32
    %add3A_24 = arith.constant 1 : i32
    %add3A_25 = arith.addi %add3A_23, %add3A_24 : i32
    %dma_start3A_26 = arith.constant 0 : i32
    %dma_start3A_27 = tpu.memref_slice %arg2[%add3A_25, %dma_start3A_26] : memref<128x32768xf32, #tpu.memory_space<hbm>> -> memref<1x32768xf32, #tpu.memory_space<hbm>>
    %dma_start3A_28 = tpu.memref_squeeze %dma_start3A_27 : memref<1x32768xf32, #tpu.memory_space<hbm>> -> memref<32768xf32, #tpu.memory_space<hbm>>
    %dma_start3A_29 = arith.constant 0 : i32
    %dma_start3A_30 = tpu.memref_slice %arg2[%add3A_25, %dma_start3A_29] : memref<128x32768xf32, #tpu.memory_space<hbm>> -> memref<1x32768xf32, #tpu.memory_space<hbm>>
    %dma_start3A_31 = tpu.memref_squeeze %dma_start3A_30 : memref<1x32768xf32, #tpu.memory_space<hbm>> -> memref<32768xf32, #tpu.memory_space<hbm>>
    tpu.enqueue_dma source(%dma_start3A_31 : memref<32768xf32, #tpu.memory_space<hbm>>) target(%arg5 : memref<32768xf32, #tpu.memory_space<vmem>>) target_semaphore(%arg10 : memref<!tpu.dma_semaphore, #tpu.memory_space<semaphore_mem>>)
    %dma_wait3A = arith.constant 0 : i32
    %dma_wait3A_32 = tpu.memref_slice %arg2[%mul3A_5, %dma_wait3A] : memref<128x32768xf32, #tpu.memory_space<hbm>> -> memref<1x32768xf32, #tpu.memory_space<hbm>>
    %dma_wait3A_33 = tpu.memref_squeeze %dma_wait3A_32 : memref<1x32768xf32, #tpu.memory_space<hbm>> -> memref<32768xf32, #tpu.memory_space<hbm>>
    %dma_wait3A_34 = arith.constant 0 : i32
    %dma_wait3A_35 = tpu.memref_slice %arg2[%mul3A_5, %dma_wait3A_34] : memref<128x32768xf32, #tpu.memory_space<hbm>> -> memref<1x32768xf32, #tpu.memory_space<hbm>>
    %dma_wait3A_36 = tpu.memref_squeeze %dma_wait3A_35 : memref<1x32768xf32, #tpu.memory_space<hbm>> -> memref<32768xf32, #tpu.memory_space<hbm>>
    tpu.wait_dma2 semaphore(%arg9 : memref<!tpu.dma_semaphore, #tpu.memory_space<semaphore_mem>>) src(%dma_wait3A_36 : memref<32768xf32, #tpu.memory_space<hbm>>) dst(%arg4 : memref<32768xf32, #tpu.memory_space<vmem>>)
    %add3A_37 = arith.constant 0 : i32
    %add3A_38 = arith.addi %mul3A_5, %add3A_37 : i32
    %add3A_39 = arith.constant 0 : i32
    %add3A_40 = arith.addi %mul3A_5, %add3A_39 : i32
    %dma_start3A_41 = arith.constant 0 : i32
    %dma_start3A_42 = tpu.memref_slice %arg3[%add3A_40, %dma_start3A_41] : memref<128x32768xf32, #tpu.memory_space<hbm>> -> memref<1x32768xf32, #tpu.memory_space<hbm>>
    %dma_start3A_43 = tpu.memref_squeeze %dma_start3A_42 : memref<1x32768xf32, #tpu.memory_space<hbm>> -> memref<32768xf32, #tpu.memory_space<hbm>>
    %dma_start3A_44 = arith.constant 0 : i32
    %dma_start3A_45 = tpu.memref_slice %arg3[%add3A_40, %dma_start3A_44] : memref<128x32768xf32, #tpu.memory_space<hbm>> -> memref<1x32768xf32, #tpu.memory_space<hbm>>
    %dma_start3A_46 = tpu.memref_squeeze %dma_start3A_45 : memref<1x32768xf32, #tpu.memory_space<hbm>> -> memref<32768xf32, #tpu.memory_space<hbm>>
    tpu.enqueue_dma source(%arg4 : memref<32768xf32, #tpu.memory_space<vmem>>) target(%dma_start3A_46 : memref<32768xf32, #tpu.memory_space<hbm>>) target_semaphore(%arg11 : memref<!tpu.dma_semaphore, #tpu.memory_space<semaphore_mem>>)
    %dma_wait3A_47 = arith.constant 0 : i32
    %dma_wait3A_48 = tpu.memref_slice %arg3[%add3A_40, %dma_wait3A_47] : memref<128x32768xf32, #tpu.memory_space<hbm>> -> memref<1x32768xf32, #tpu.memory_space<hbm>>
    %dma_wait3A_49 = tpu.memref_squeeze %dma_wait3A_48 : memref<1x32768xf32, #tpu.memory_space<hbm>> -> memref<32768xf32, #tpu.memory_space<hbm>>
    %dma_wait3A_50 = arith.constant 0 : i32
    %dma_wait3A_51 = tpu.memref_slice %arg3[%add3A_40, %dma_wait3A_50] : memref<128x32768xf32, #tpu.memory_space<hbm>> -> memref<1x32768xf32, #tpu.memory_space<hbm>>
    %dma_wait3A_52 = tpu.memref_squeeze %dma_wait3A_51 : memref<1x32768xf32, #tpu.memory_space<hbm>> -> memref<32768xf32, #tpu.memory_space<hbm>>
    tpu.wait_dma2 semaphore(%arg11 : memref<!tpu.dma_semaphore, #tpu.memory_space<semaphore_mem>>) src(%arg4 : memref<32768xf32, #tpu.memory_space<vmem>>) dst(%dma_wait3A_52 : memref<32768xf32, #tpu.memory_space<hbm>>)
    %add3A_53 = arith.constant 1 : i32
    %add3A_54 = arith.addi %mul3A_5, %add3A_53 : i32
    %add3A_55 = arith.constant 1 : i32
    %add3A_56 = arith.addi %add3A_54, %add3A_55 : i32
    %dma_start3A_57 = arith.constant 0 : i32
    %dma_start3A_58 = tpu.memref_slice %arg2[%add3A_56, %dma_start3A_57] : memref<128x32768xf32, #tpu.memory_space<hbm>> -> memref<1x32768xf32, #tpu.memory_space<hbm>>
    %dma_start3A_59 = tpu.memref_squeeze %dma_start3A_58 : memref<1x32768xf32, #tpu.memory_space<hbm>> -> memref<32768xf32, #tpu.memory_space<hbm>>
    %dma_start3A_60 = arith.constant 0 : i32
    %dma_start3A_61 = tpu.memref_slice %arg2[%add3A_56, %dma_start3A_60] : memref<128x32768xf32, #tpu.memory_space<hbm>> -> memref<1x32768xf32, #tpu.memory_space<hbm>>
    %dma_start3A_62 = tpu.memref_squeeze %dma_start3A_61 : memref<1x32768xf32, #tpu.memory_space<hbm>> -> memref<32768xf32, #tpu.memory_space<hbm>>
    tpu.enqueue_dma source(%dma_start3A_62 : memref<32768xf32, #tpu.memory_space<hbm>>) target(%arg4 : memref<32768xf32, #tpu.memory_space<vmem>>) target_semaphore(%arg9 : memref<!tpu.dma_semaphore, #tpu.memory_space<semaphore_mem>>)
    %dma_wait3A_63 = arith.constant 0 : i32
    %dma_wait3A_64 = tpu.memref_slice %arg2[%add3A_25, %dma_wait3A_63] : memref<128x32768xf32, #tpu.memory_space<hbm>> -> memref<1x32768xf32, #tpu.memory_space<hbm>>
    %dma_wait3A_65 = tpu.memref_squeeze %dma_wait3A_64 : memref<1x32768xf32, #tpu.memory_space<hbm>> -> memref<32768xf32, #tpu.memory_space<hbm>>
    %dma_wait3A_66 = arith.constant 0 : i32
    %dma_wait3A_67 = tpu.memref_slice %arg2[%add3A_25, %dma_wait3A_66] : memref<128x32768xf32, #tpu.memory_space<hbm>> -> memref<1x32768xf32, #tpu.memory_space<hbm>>
    %dma_wait3A_68 = tpu.memref_squeeze %dma_wait3A_67 : memref<1x32768xf32, #tpu.memory_space<hbm>> -> memref<32768xf32, #tpu.memory_space<hbm>>
    tpu.wait_dma2 semaphore(%arg10 : memref<!tpu.dma_semaphore, #tpu.memory_space<semaphore_mem>>) src(%dma_wait3A_68 : memref<32768xf32, #tpu.memory_space<hbm>>) dst(%arg5 : memref<32768xf32, #tpu.memory_space<vmem>>)
    %add3A_69 = arith.constant 1 : i32
    %add3A_70 = arith.addi %mul3A_5, %add3A_69 : i32
    %add3A_71 = arith.constant 1 : i32
    %add3A_72 = arith.addi %mul3A_5, %add3A_71 : i32
    %dma_start3A_73 = arith.constant 0 : i32
    %dma_start3A_74 = tpu.memref_slice %arg3[%add3A_72, %dma_start3A_73] : memref<128x32768xf32, #tpu.memory_space<hbm>> -> memref<1x32768xf32, #tpu.memory_space<hbm>>
    %dma_start3A_75 = tpu.memref_squeeze %dma_start3A_74 : memref<1x32768xf32, #tpu.memory_space<hbm>> -> memref<32768xf32, #tpu.memory_space<hbm>>
    %dma_start3A_76 = arith.constant 0 : i32
    %dma_start3A_77 = tpu.memref_slice %arg3[%add3A_72, %dma_start3A_76] : memref<128x32768xf32, #tpu.memory_space<hbm>> -> memref<1x32768xf32, #tpu.memory_space<hbm>>
    %dma_start3A_78 = tpu.memref_squeeze %dma_start3A_77 : memref<1x32768xf32, #tpu.memory_space<hbm>> -> memref<32768xf32, #tpu.memory_space<hbm>>
    tpu.enqueue_dma source(%arg5 : memref<32768xf32, #tpu.memory_space<vmem>>) target(%dma_start3A_78 : memref<32768xf32, #tpu.memory_space<hbm>>) target_semaphore(%arg12 : memref<!tpu.dma_semaphore, #tpu.memory_space<semaphore_mem>>)
    %dma_wait3A_79 = arith.constant 0 : i32
    %dma_wait3A_80 = tpu.memref_slice %arg3[%add3A_72, %dma_wait3A_79] : memref<128x32768xf32, #tpu.memory_space<hbm>> -> memref<1x32768xf32, #tpu.memory_space<hbm>>
    %dma_wait3A_81 = tpu.memref_squeeze %dma_wait3A_80 : memref<1x32768xf32, #tpu.memory_space<hbm>> -> memref<32768xf32, #tpu.memory_space<hbm>>
    %dma_wait3A_82 = arith.constant 0 : i32
    %dma_wait3A_83 = tpu.memref_slice %arg3[%add3A_72, %dma_wait3A_82] : memref<128x32768xf32, #tpu.memory_space<hbm>> -> memref<1x32768xf32, #tpu.memory_space<hbm>>
    %dma_wait3A_84 = tpu.memref_squeeze %dma_wait3A_83 : memref<1x32768xf32, #tpu.memory_space<hbm>> -> memref<32768xf32, #tpu.memory_space<hbm>>
    tpu.wait_dma2 semaphore(%arg12 : memref<!tpu.dma_semaphore, #tpu.memory_space<semaphore_mem>>) src(%arg5 : memref<32768xf32, #tpu.memory_space<vmem>>) dst(%dma_wait3A_84 : memref<32768xf32, #tpu.memory_space<hbm>>)
    %add3A_85 = arith.constant 2 : i32
    %add3A_86 = arith.addi %mul3A_5, %add3A_85 : i32
    %add3A_87 = arith.constant 1 : i32
    %add3A_88 = arith.addi %add3A_86, %add3A_87 : i32
    %dma_start3A_89 = arith.constant 0 : i32
    %dma_start3A_90 = tpu.memref_slice %arg2[%add3A_88, %dma_start3A_89] : memref<128x32768xf32, #tpu.memory_space<hbm>> -> memref<1x32768xf32, #tpu.memory_space<hbm>>
    %dma_start3A_91 = tpu.memref_squeeze %dma_start3A_90 : memref<1x32768xf32, #tpu.memory_space<hbm>> -> memref<32768xf32, #tpu.memory_space<hbm>>
    %dma_start3A_92 = arith.constant 0 : i32
    %dma_start3A_93 = tpu.memref_slice %arg2[%add3A_88, %dma_start3A_92] : memref<128x32768xf32, #tpu.memory_space<hbm>> -> memref<1x32768xf32, #tpu.memory_space<hbm>>
    %dma_start3A_94 = tpu.memref_squeeze %dma_start3A_93 : memref<1x32768xf32, #tpu.memory_space<hbm>> -> memref<32768xf32, #tpu.memory_space<hbm>>
    tpu.enqueue_dma source(%dma_start3A_94 : memref<32768xf32, #tpu.memory_space<hbm>>) target(%arg5 : memref<32768xf32, #tpu.memory_space<vmem>>) target_semaphore(%arg10 : memref<!tpu.dma_semaphore, #tpu.memory_space<semaphore_mem>>)
    %dma_wait3A_95 = arith.constant 0 : i32
    %dma_wait3A_96 = tpu.memref_slice %arg2[%add3A_56, %dma_wait3A_95] : memref<128x32768xf32, #tpu.memory_space<hbm>> -> memref<1x32768xf32, #tpu.memory_space<hbm>>
    %dma_wait3A_97 = tpu.memref_squeeze %dma_wait3A_96 : memref<1x32768xf32, #tpu.memory_space<hbm>> -> memref<32768xf32, #tpu.memory_space<hbm>>
    %dma_wait3A_98 = arith.constant 0 : i32
    %dma_wait3A_99 = tpu.memref_slice %arg2[%add3A_56, %dma_wait3A_98] : memref<128x32768xf32, #tpu.memory_space<hbm>> -> memref<1x32768xf32, #tpu.memory_space<hbm>>
    %dma_wait3A_100 = tpu.memref_squeeze %dma_wait3A_99 : memref<1x32768xf32, #tpu.memory_space<hbm>> -> memref<32768xf32, #tpu.memory_space<hbm>>
    tpu.wait_dma2 semaphore(%arg9 : memref<!tpu.dma_semaphore, #tpu.memory_space<semaphore_mem>>) src(%dma_wait3A_100 : memref<32768xf32, #tpu.memory_space<hbm>>) dst(%arg4 : memref<32768xf32, #tpu.memory_space<vmem>>)
    %add3A_101 = arith.constant 2 : i32
    %add3A_102 = arith.addi %mul3A_5, %add3A_101 : i32
    %add3A_103 = arith.constant 2 : i32
    %add3A_104 = arith.addi %mul3A_5, %add3A_103 : i32
    %dma_start3A_105 = arith.constant 0 : i32
    %dma_start3A_106 = tpu.memref_slice %arg3[%add3A_104, %dma_start3A_105] : memref<128x32768xf32, #tpu.memory_space<hbm>> -> memref<1x32768xf32, #tpu.memory_space<hbm>>
    %dma_start3A_107 = tpu.memref_squeeze %dma_start3A_106 : memref<1x32768xf32, #tpu.memory_space<hbm>> -> memref<32768xf32, #tpu.memory_space<hbm>>
    %dma_start3A_108 = arith.constant 0 : i32
    %dma_start3A_109 = tpu.memref_slice %arg3[%add3A_104, %dma_start3A_108] : memref<128x32768xf32, #tpu.memory_space<hbm>> -> memref<1x32768xf32, #tpu.memory_space<hbm>>
    %dma_start3A_110 = tpu.memref_squeeze %dma_start3A_109 : memref<1x32768xf32, #tpu.memory_space<hbm>> -> memref<32768xf32, #tpu.memory_space<hbm>>
    tpu.enqueue_dma source(%arg4 : memref<32768xf32, #tpu.memory_space<vmem>>) target(%dma_start3A_110 : memref<32768xf32, #tpu.memory_space<hbm>>) target_semaphore(%arg11 : memref<!tpu.dma_semaphore, #tpu.memory_space<semaphore_mem>>)
    %dma_wait3A_111 = arith.constant 0 : i32
    %dma_wait3A_112 = tpu.memref_slice %arg2[%add3A_88, %dma_wait3A_111] : memref<128x32768xf32, #tpu.memory_space<hbm>> -> memref<1x32768xf32, #tpu.memory_space<hbm>>
    %dma_wait3A_113 = tpu.memref_squeeze %dma_wait3A_112 : memref<1x32768xf32, #tpu.memory_space<hbm>> -> memref<32768xf32, #tpu.memory_space<hbm>>
    %dma_wait3A_114 = arith.constant 0 : i32
    %dma_wait3A_115 = tpu.memref_slice %arg2[%add3A_88, %dma_wait3A_114] : memref<128x32768xf32, #tpu.memory_space<hbm>> -> memref<1x32768xf32, #tpu.memory_space<hbm>>
    %dma_wait3A_116 = tpu.memref_squeeze %dma_wait3A_115 : memref<1x32768xf32, #tpu.memory_space<hbm>> -> memref<32768xf32, #tpu.memory_space<hbm>>
    tpu.wait_dma2 semaphore(%arg10 : memref<!tpu.dma_semaphore, #tpu.memory_space<semaphore_mem>>) src(%dma_wait3A_116 : memref<32768xf32, #tpu.memory_space<hbm>>) dst(%arg5 : memref<32768xf32, #tpu.memory_space<vmem>>)
    %add3A_117 = arith.constant 3 : i32
    %add3A_118 = arith.addi %mul3A_5, %add3A_117 : i32
    %add3A_119 = arith.constant 3 : i32
    %add3A_120 = arith.addi %mul3A_5, %add3A_119 : i32
    %dma_start3A_121 = arith.constant 0 : i32
    %dma_start3A_122 = tpu.memref_slice %arg3[%add3A_120, %dma_start3A_121] : memref<128x32768xf32, #tpu.memory_space<hbm>> -> memref<1x32768xf32, #tpu.memory_space<hbm>>
    %dma_start3A_123 = tpu.memref_squeeze %dma_start3A_122 : memref<1x32768xf32, #tpu.memory_space<hbm>> -> memref<32768xf32, #tpu.memory_space<hbm>>
    %dma_start3A_124 = arith.constant 0 : i32
    %dma_start3A_125 = tpu.memref_slice %arg3[%add3A_120, %dma_start3A_124] : memref<128x32768xf32, #tpu.memory_space<hbm>> -> memref<1x32768xf32, #tpu.memory_space<hbm>>
    %dma_start3A_126 = tpu.memref_squeeze %dma_start3A_125 : memref<1x32768xf32, #tpu.memory_space<hbm>> -> memref<32768xf32, #tpu.memory_space<hbm>>
    tpu.enqueue_dma source(%arg5 : memref<32768xf32, #tpu.memory_space<vmem>>) target(%dma_start3A_126 : memref<32768xf32, #tpu.memory_space<hbm>>) target_semaphore(%arg12 : memref<!tpu.dma_semaphore, #tpu.memory_space<semaphore_mem>>)
    %dma_wait3A_127 = arith.constant 0 : i32
    %dma_wait3A_128 = tpu.memref_slice %arg3[%add3A_104, %dma_wait3A_127] : memref<128x32768xf32, #tpu.memory_space<hbm>> -> memref<1x32768xf32, #tpu.memory_space<hbm>>
    %dma_wait3A_129 = tpu.memref_squeeze %dma_wait3A_128 : memref<1x32768xf32, #tpu.memory_space<hbm>> -> memref<32768xf32, #tpu.memory_space<hbm>>
    %dma_wait3A_130 = arith.constant 0 : i32
    %dma_wait3A_131 = tpu.memref_slice %arg3[%add3A_104, %dma_wait3A_130] : memref<128x32768xf32, #tpu.memory_space<hbm>> -> memref<1x32768xf32, #tpu.memory_space<hbm>>
    %dma_wait3A_132 = tpu.memref_squeeze %dma_wait3A_131 : memref<1x32768xf32, #tpu.memory_space<hbm>> -> memref<32768xf32, #tpu.memory_space<hbm>>
    tpu.wait_dma2 semaphore(%arg11 : memref<!tpu.dma_semaphore, #tpu.memory_space<semaphore_mem>>) src(%arg4 : memref<32768xf32, #tpu.memory_space<vmem>>) dst(%dma_wait3A_132 : memref<32768xf32, #tpu.memory_space<hbm>>)
    %dma_wait3A_133 = arith.constant 0 : i32
    %dma_wait3A_134 = tpu.memref_slice %arg3[%add3A_120, %dma_wait3A_133] : memref<128x32768xf32, #tpu.memory_space<hbm>> -> memref<1x32768xf32, #tpu.memory_space<hbm>>
    %dma_wait3A_135 = tpu.memref_squeeze %dma_wait3A_134 : memref<1x32768xf32, #tpu.memory_space<hbm>> -> memref<32768xf32, #tpu.memory_space<hbm>>
    %dma_wait3A_136 = arith.constant 0 : i32
    %dma_wait3A_137 = tpu.memref_slice %arg3[%add3A_120, %dma_wait3A_136] : memref<128x32768xf32, #tpu.memory_space<hbm>> -> memref<1x32768xf32, #tpu.memory_space<hbm>>
    %dma_wait3A_138 = tpu.memref_squeeze %dma_wait3A_137 : memref<1x32768xf32, #tpu.memory_space<hbm>> -> memref<32768xf32, #tpu.memory_space<hbm>>
    tpu.wait_dma2 semaphore(%arg12 : memref<!tpu.dma_semaphore, #tpu.memory_space<semaphore_mem>>) src(%arg5 : memref<32768xf32, #tpu.memory_space<vmem>>) dst(%dma_wait3A_138 : memref<32768xf32, #tpu.memory_space<hbm>>)
    return
  }
}

</mosaic_0001>

<sc_bundles>
// kernel: kernel.3.cloned.1.call-start
scs
__scs_entry_jumppad:
0x0: {  	(pc) =	sbr.rel $0x88, $3  }
0x1: {  	(tag) =	ssettag $0x0;
	lr =	simm.s32 $0x1  }
0x2: {  	[smem:$0x3FA0] =	sst lr;
	_ =	strace $0xD0000000  }
0x3: {  	_ = 	snop  }
0x4: {  	_ = 	snop  }
0x5: {  	_ = 	snop  }
0x6: {  	_ = 	snop  }
0x7: {  	_ = 	snop  }
__scs_overlays_trampoline_lowered:
0x8: {  	[smem:$0x3FAF] =	sst s0  }
0x9: {  	[smem:$0x3FB0] =	sst s1  }
0xa: {  	[smem:$0x3FB1] =	sst s2  }
0xb: {  	[smem:$0x3FB2] =	sst s3  }
0xc: {  	[smem:$0x3FB3] =	sst s4  }
0xd: {  	[smem:$0x3FB4] =	sst s5  }
0xe: {  	[smem:$0x3FB5] =	sst s6  }
0xf: {  	[smem:$0x3FB6] =	sst s7  }
0x10: {  	[smem:$0x3FB7] =	sst s8  }
0x11: {  	[smem:$0x3FB8] =	sst s9;
	s0 =	simm.s32 @!p0 $0x0  }
0x12: {  	s1 =	sld [smem:$0x3F9E];
	s0 =	simm.s32 @p0 $0x1  }
0x13: {  	[smem:$0x3FB9] =	sst s0;
	s0 =	simm.s32 @!p1 $0x0  }
0x14: {  	s2 =	sld [smem:$0x3F9D];
	s0 =	simm.s32 @p1 $0x1  }
0x15: {  	[smem:$0x3FBA] =	sst s0;
	s0 =	simm.s32 @!p2 $0x0  }
0x16: {  	s3 =	sld [smem:$0x3FDB];
	s0 =	simm.s32 @p2 $0x1  }
0x17: {  	s4 =	simm.s32 $0x1BF5;
	[smem:$0x3FBC] =	sst s0  }
0x18: {  	s0 =	sld [smem:$0x3F9F];
	_ =	swait.ge [sflag:s4], $0x0  }
0x19: {  	s7 =	sld [smem:$0x3FA0]  }
0x1a: {  	s8 =	sadd.s32 $0xFFFFE003, lr  }
0x1b: {  	s9 =	sadd.s32 $0xFFFFFEF7, lr;
	s5 =	simm.s32 $0xFFFFFFFF;
	p2 =	slt.u32 s8, $0xFFFFF086  }
0x1c: {  	p1 =	slt.u32 s9, $0xF7A;
	s5 =	simm.s32 @!p2 $0x0  }
0x1d: {  	s5 =	simm.s32 @p1 $0x1;
	p0 =	seq.s32 s7, s2  }
0x1e: {  	s7 =	smul.u32 @!p0 $0xF7A, s2;
	p2 =	seq.s32 @!p0 s5, $0x0  }
0x1f: {  	s9 =	smul.u32 $0xF7A, s1;
	s8 =	simm.s32 @!p0 $0x1BF5;
	p2 =	por !p2, p0  }
0x20: {  	[sflag:s8] =	ssyncset.s32 @!p0 $0xFFFFF086;
	s6 =	sadd.s32 @!p0 s3, s7;
	s7 =	simm.s32 @!p0 $0x108  }
0x21: {  	s3 =	sadd.s32 s3, s9;
	s6 =	sadd.s32 @!p0 $0x88, s6;
	s7 =	simm.s32 @p2 $0x1082  }
0x22: {  	[simem:s7], [sflag:s8] =	dma.local @!p0 [hbm:s6], $0xF7A  }
0x23: {  	s9 =	sor.u32 $0xD0000000, s2;
	s6 =	simm.s32 $0x108;
	_ =	swait.ge @!p0 [sflag:s8], $0x0  }
0x24: {  	s3 =	sadd.s32 $0x88, s3;
	s6 =	simm.s32 @!p1 $0x1082;
	[sflag:s4] =	ssyncset.s32 $0xFFFFF086  }
0x25: {  	[simem:s6], [sflag:s4] =	dma.local [hbm:s3], $0xF7A  }
0x26: {  	[smem:$0x3FA0] =	sst s1;
	(tag) =	ssettag s2;
	_ =	strace s9  }
0x27: {  	s1 =	sld [smem:$0x3FB0]  }
0x28: {  	s2 =	sld [smem:$0x3FB1]  }
0x29: {  	s4 =	sld [smem:$0x3FB3]  }
0x2a: {  	p0 =	seq.s32 s5, $0x0;
	s5 =	sld [smem:$0x3FB4]  }
0x2b: {  	s6 =	sld [smem:$0x3FB5]  }
0x2c: {  	s7 =	sld [smem:$0x3FB6]  }
0x2d: {  	s3 =	simm.s32 $0x108;
	s8 =	sld [smem:$0x3FB7]  }
0x2e: {  	s3 =	simm.s32 @!p0 $0x1082;
	s9 =	sld [smem:$0x3FB8]  }
0x2f: {  	lr =	sadd.s32 s0, s3;
	s0 =	sld [smem:$0x3FAF]  }
0x30: {  	s3 =	sld [smem:$0x3FB2]  }
0x31: {  	[smem:$0x3FBB] =	sst s10  }
0x32: {  	s10 =	sld [smem:$0x3FB9];
	_ =	sdelay $0x3  }
0x33: {  	p0 =	seq.s32 s10, $0x1;
	s10 =	sld [smem:$0x3FBB];
	_ =	sdelay $0x3  }
0x34: {  	[smem:$0x3FBB] =	sst s10  }
0x35: {  	s10 =	sld [smem:$0x3FBA];
	_ =	sdelay $0x3  }
0x36: {  	p1 =	seq.s32 s10, $0x1;
	s10 =	sld [smem:$0x3FBB];
	_ =	sdelay $0x3  }
0x37: {  	[smem:$0x3FBB] =	sst s10  }
0x38: {  	s10 =	sld [smem:$0x3FBC]  }
0x39: {  	_ = 	snop;
	(pc) =	sbr.ind lr, $3  }
0x3a: {  	_ = 	snop  }
0x3b: {  	_ = 	snop  }
0x3c: {  	p2 =	seq.s32 s10, $0x1;
	s10 =	sld [smem:$0x3FBB]  }
0x3d: {  	_ =	shalt  }
0x3e: {  	_ =	shalt  }
0x3f: {  	_ =	shalt  }
0x40: {  	_ =	shalt  }
0x41: {  	_ =	shalt  }
0x42: {  	_ =	shalt  }
0x43: {  	_ =	shalt  }
0x44: {  	_ =	shalt  }
0x45: {  	_ =	shalt  }
0x46: {  	_ =	shalt  }
0x47: {  	_ =	shalt  }
0x48: {  	_ =	shalt  }
0x49: {  	_ =	shalt  }
0x4a: {  	_ =	shalt  }
0x4b: {  	_ =	shalt  }
0x4c: {  	_ =	shalt  }
0x4d: {  	_ =	shalt  }
0x4e: {  	_ =	shalt  }
0x4f: {  	_ =	shalt  }
0x50: {  	_ =	shalt  }
0x51: {  	_ =	shalt  }
0x52: {  	_ =	shalt  }
0x53: {  	_ =	shalt  }
0x54: {  	_ =	shalt  }
0x55: {  	_ =	shalt  }
0x56: {  	_ =	shalt  }
0x57: {  	_ =	shalt  }
0x58: {  	_ =	shalt  }
0x59: {  	_ =	shalt  }
0x5a: {  	_ =	shalt  }
0x5b: {  	_ =	shalt  }
0x5c: {  	_ =	shalt  }
0x5d: {  	_ =	shalt  }
0x5e: {  	_ =	shalt  }
0x5f: {  	_ =	shalt  }
0x60: {  	_ =	shalt  }
0x61: {  	_ =	shalt  }
0x62: {  	_ =	shalt  }
0x63: {  	_ =	shalt  }
0x64: {  	_ =	shalt  }
0x65: {  	_ =	shalt  }
0x66: {  	_ =	shalt  }
0x67: {  	_ =	shalt  }
0x68: {  	_ =	shalt  }
0x69: {  	_ =	shalt  }
0x6a: {  	_ =	shalt  }
0x6b: {  	_ =	shalt  }
0x6c: {  	_ =	shalt  }
0x6d: {  	_ =	shalt  }
0x6e: {  	_ =	shalt  }
0x6f: {  	_ =	shalt  }
0x70: {  	_ =	shalt  }
0x71: {  	_ =	shalt  }
0x72: {  	_ =	shalt  }
0x73: {  	_ =	shalt  }
0x74: {  	_ =	shalt  }
0x75: {  	_ =	shalt  }
0x76: {  	_ =	shalt  }
0x77: {  	_ =	shalt  }
0x78: {  	_ =	shalt  }
0x79: {  	_ =	shalt  }
0x7a: {  	_ =	shalt  }
0x7b: {  	_ =	shalt  }
0x7c: {  	_ =	shalt  }
0x7d: {  	_ =	shalt  }
0x7e: {  	_ =	shalt  }
0x7f: {  	_ =	shalt  }
0x80: {  	_ =	shalt  }
0x81: {  	_ =	shalt  }
0x82: {  	_ =	shalt  }
0x83: {  	_ =	shalt  }
0x84: {  	_ =	shalt  }
0x85: {  	_ =	shalt  }
0x86: {  	_ =	shalt  }
0x87: {  	_ =	shalt  }
.Lfunc_end0:
.L_simem_size_0:
called_computation_lowered:
.L_overlay_start_0:
0x88: {  	s2 =	sld [smem:$0x3FD9]  }
0x89: {  	s3 =	sld [smem:$0x3FFE];
	_ =	sdelay $0x1  }
0x8a: {  	s1 =	srdreg.scid  }
0x8b: {  	s0 =	sand.u32 $0x1, s1  }
0x8c: {  	s18 =	sshll.u32 s0, $0xA;
	s2 =	sadd.s32 s3, s2  }
0x8d: {  	s2 =	sadd.s32 s2, s18  }
0x8e: {  	[smem:$0x3FC7] =	sst s2  }
0x8f: {  	_ = 	snop  }
0x90: {  	s2 =	sld [smem:$0x3FC9]  }
0x91: {  	s19 =	sld [smem:$0x3FD0];
	(tm) =	ssettm $0x1  }
0x92: {  	s4 =	sld [smem:$0x3FFB];
	_ =	sdelay $0x3  }
0x93: {  	_ =	strace s4  }
0x94: {  	s4 =	sld [smem:$0x3FFC];
	_ =	sdelay $0x3  }
0x95: {  	_ =	strace s4  }
0x96: {  	s4 =	sld [smem:$0x3FFD];
	_ =	sdelay $0x3  }
0x97: {  	_ =	strace s4  }
0x98: {  	_ =	strace $0x8FFFFFFF  }
0x99: {  	s20 =	sld [smem:$0x3FDB];
	_ =	sdelay $0x1  }
0x9a: {  	s5 =	simm.s32 $_scs_section_size  }
0x9b: {  	s6 =	simm.s32 $_size__tile_overlayer_lowered;
	s7 =	simm.s32 $_tile_overlayer_lowered  }
0x9c: {  	s23 =	simm.s32 $0x1BFF;
	s22 =	sshll.u32 s7, $0x1;
	s4 =	sadd.s32 s5, s20  }
0x9d: {  	s8 =	simm.s32 $0x0;
	s21 =	sshll.u32 s6, $0x1;
	s6 =	sadd.s32 s22, s4  }
0x9e: {  	[timem:s8], [sflag:s23] =	dma.local [hbm:s6], s21  }
0x9f: {  	_ =	swait.ge [sflag:s23], s21  }
0xa0: {  	s5 =	ssub.s32 $0x0, s21;
	[sflag:s23] =	ssyncset.done $0x0  }
0xa1: {  	[sflag:s23] =	ssyncadd.s32 s5;
	_ =	sdelay $0x1  }
0xa2: {  	s24 =	simm.s32 $0x1B8B  }
0xa3: {  	_ =	swait.ge [sflag:s24], $0x1  }
0xa4: {  	[sflag:s24] =	ssyncset.done $0x0  }
0xa5: {  	s25 =	simm.s32 $0x1B8E;
	[sflag:s24] =	ssyncadd.s32 $0xFFFFFFFF  }
0xa6: {  	s26 =	simm.s32 $execute0_lowered;
	[smem:$0x3FD2] =	sst s25  }
0xa7: {  	s5 =	sshll.u32 s26, $0x1;
	_ =	strace $0x80000046;
	[dreg:$0x1] =	wrdreg $0xFFFFFFFF  }
0xa8: {  	s28 =	simm.s32 $_size_execute0_lowered;
	s4 =	sadd.s32 s4, s5;
	[dreg:$0x0] =	wrdreg $0x0  }
0xa9: {  	s5 =	sshll.u32 s28, $0x1;
	[dreg:$0x2] =	wrdreg s4  }
0xaa: {  	[dreg:$0x3] =	wrdreg s5  }
0xab: {  	[dreg:$0x4] =	wrdreg $0xC0  }
0xac: {  	_ =	task [dreg:s8], $0x5FFFF  }
0xad: {  	[dreg:$0x1] =	wrdreg $0xFFFFFFFF  }
0xae: {  	[dreg:$0x0] =	wrdreg $0x60  }
0xaf: {  	[dreg:$0x2] =	wrdreg s2  }
0xb0: {  	[dreg:$0x3] =	wrdreg s19  }
0xb1: {  	[dreg:$0x4] =	wrdreg $0x9  }
0xb2: {  	_ =	task.clear_ibuf [dreg:s8], $0x5FFFF;
	_ =	strace $0x90000046  }
0xb3: {  	s29 =	simm.s32 $0x9;
	_ =	strace $0x80000048  }
0xb4: {  	_ =	swait.ge [sflag:s29], $0x1  }
0xb5: {  	[sflag:s29] =	ssyncadd.s32 $0xFFFFFFFF  }
0xb6: {  	_ =	strace $0x90000048  }
0xb7: {  	_ =	sfence  }
0xb8: {  	s30 =	sld [smem:$0x0];
	_ =	sdelay $0x2  }
0xb9: {  	s31 =	sshll.u32 s1, $0xD;
	s1 =	sshrl.u32 s1, $0x2  }
0xba: {  	s3 =	sand.u32 $0x4000, s31;
	s1 =	sadd.s32 s1, s30  }
0xbb: {  	s0 =	sor.u32 s3, s0;
	s1 =	sshll.u32 s1, $0x11  }
0xbc: {  	s0 =	sor.u32 s1, s0  }
0xbd: {  	s0 =	sadd.s32 $0x8F2B, s0  }
0xbe: {  	[sflag:s0] =	ssyncadd.remote.s32 $0x1  }
0xbf: {  	_ =	sfence.sel $0xFFFF  }
0xc0: {  	[dreg:$0x0] =	wrdreg $0xFFFFFFFF;
	(pc) =	sbr.abs _section_cstart, $3  }
0xc1: {  	[dreg:$0x1] =	wrdreg $0xFFFFFFFF  }
0xc2: {  	_ =	task.clear_ibuf [dreg:s8], $0x2FFFF;
	_ =	strace $0x9FFFFFFF  }
0xc3: {  	(tm) =	ssettm $0x7FFFFFFF  }
tec
execute0_lowered:
.L_overlay_start_1:
0x0: {  	(tag) =	ssettag $0x1  }
0x1: {  	s8 =	rddreg [dreg:$0x0]  }
0x2: {  	s10 =	rddreg [dreg:$0x1]  }
0x3: {  	s0 =	rddreg [dreg:$0x2];
	s2 =	simm.s32 $0x0;
	s3 =	srdreg.scid  }
0x4: {  	s1 =	stileid.u32;
	s14 =	simm.s32 $0x8000;
	s15 =	simm.s32 $0x1  }
0x5: {  	s16 =	simm.s32 $0x3;
	s17 =	simm.s32 $0x2;
	s18 =	simm.s32 $0x4  }
0x6: {  	s19 =	simm.s32 $0x0;
	[smem:$0x7FF] =	sst s2;
	s3 =	sand.u32 $0x1, s3  }
0x7: {  	s5 =	sshll.u32 s1, $0xF;
	s4 =	ssub.s32 $0x2, s3;
	s3 =	sshll.u32 s3, $0x6  }
0x8: {  	_ =	strace $0x80000047;
	s6 =	sshrl.u32 s4, $0x1;
	s9 =	sor.u32 s3, s5  }
0x9: {  	s11 =	ssub.s32 s4, s6;
	s3 =	sadd.s32 s8, s9;
	s7 =	sor.u32 $0x10, s9  }
0xa: {  	s5 =	sadd.s32 s10, s9;
	s12 =	sor.u32 $0x20, s9;
	s13 =	sor.u32 $0x30, s9  }
0xb: {  	s4 =	sadd.s32 s8, s7;
	s6 =	sadd.s32 s8, s12;
	s7 =	sadd.s32 s10, s7  }
0xc: {  	s8 =	sadd.s32 s8, s13;
	s9 =	sadd.s32 s10, s12;
	s10 =	sadd.s32 s10, s13  }
0xd: {  	v0 =	vimm.s32 $0x0;
	s11 =	smax.u32 s11, $0x1;
	s12 =	simm.s32 $0x80;
	s13 =	simm.s32 $0x400  }
.LBB2_1:
0xe: {  	s20 =	simm.s32 $0x40;
	s21 =	simm.s32 $0x0  }
.LBB2_2:
0xf: {  	p0 =	sne.s32 s20, $0x3FC0;
	[tilespmem:s21+$0x10000] =	vst v0;
	s21 =	smov.u32 s20;
	s20 =	sadd.s32 $0x40, s20  }
.Ltmp0:
0x10: {  	(pc) =	sbr.rel @p0 .LBB2_2-.Ltmp0, $2  }
0x11: {  	_ =	sdelay $0x2  }
0x12: {  	s21 =	sshra.s32 s21, $0x2  }
0x13: {  	[tilespmem:s21+$0x10000] =	vst v0  }
0x14: {  	[tilespmem:$0x11000] =	vst v0  }
0x15: {  	[tilespmem:$0x11010] =	vst v0  }
0x16: {  	[tilespmem:$0x11020] =	vst v0  }
0x17: {  	[tilespmem:$0x11030] =	vst v0  }
0x18: {  	[tilespmem:$0x11040] =	vst v0  }
0x19: {  	[tilespmem:$0x11050] =	vst v0  }
0x1a: {  	[tilespmem:$0x11060] =	vst v0  }
0x1b: {  	[tilespmem:$0x11070] =	vst v0  }
0x1c: {  	[tilespmem:$0x11080] =	vst v0  }
0x1d: {  	[tilespmem:$0x11090] =	vst v0  }
0x1e: {  	[tilespmem:$0x110A0] =	vst v0  }
0x1f: {  	[tilespmem:$0x110B0] =	vst v0  }
0x20: {  	[tilespmem:$0x110C0] =	vst v0  }
0x21: {  	[tilespmem:$0x110D0] =	vst v0  }
0x22: {  	[tilespmem:$0x110E0] =	vst v0  }
0x23: {  	[tilespmem:$0x110F0] =	vst v0  }
0x24: {  	[tilespmem:s2], [sflag:$0x1] =	stream.strided.gather [hbm4b:s3+s12], $0x8000, s13, s12, $0x38;
	[tilespmem:$0x11100] =	vst v63  }
0x25: {  	_ = 	snop  }
0x26: {  	[tilespmem:s14], [sflag:$0x2] =	stream.strided.gather [hbm4b:s4+s12], $0x8000, s13, s12, $0x38;
	[tilespmem:$0x11100] =	vst v63  }
0x27: {  	_ =	swait.ge [sflag:s15], $0x8000  }
0x28: {  	[sflag:s15] =	ssyncset.done $0x0  }
0x29: {  	[sflag:s15] =	ssyncadd.s32 $0xFFFF8000  }
0x2a: {  	[hbm4b:s5+s12] =	stream.strided.scatter [tilespmem:s2], [sflag:$0x3], $0x8000, s13, s12, $0x38;
	[tilespmem:$0x11100] =	vst v63  }
0x2b: {  	_ =	swait.ge [sflag:s16], $0x8000  }
0x2c: {  	[sflag:s16] =	ssyncset.done $0x0  }
0x2d: {  	[sflag:s16] =	ssyncadd.s32 $0xFFFF8000  }
0x2e: {  	[tilespmem:s2], [sflag:$0x1] =	stream.strided.gather [hbm4b:s6+s12], $0x8000, s13, s12, $0x38;
	[tilespmem:$0x11100] =	vst v63  }
0x2f: {  	_ =	swait.ge [sflag:s17], $0x8000  }
0x30: {  	[sflag:s17] =	ssyncset.done $0x0  }
0x31: {  	[sflag:s17] =	ssyncadd.s32 $0xFFFF8000  }
0x32: {  	[hbm4b:s7+s12] =	stream.strided.scatter [tilespmem:s14], [sflag:$0x4], $0x8000, s13, s12, $0x38;
	[tilespmem:$0x11100] =	vst v63  }
0x33: {  	_ =	swait.ge [sflag:s18], $0x8000  }
0x34: {  	[sflag:s18] =	ssyncset.done $0x0  }
0x35: {  	[sflag:s18] =	ssyncadd.s32 $0xFFFF8000  }
0x36: {  	[tilespmem:s14], [sflag:$0x2] =	stream.strided.gather [hbm4b:s8+s12], $0x8000, s13, s12, $0x38;
	[tilespmem:$0x11100] =	vst v63  }
0x37: {  	_ =	swait.ge [sflag:s15], $0x8000  }
0x38: {  	[sflag:s15] =	ssyncset.done $0x0  }
0x39: {  	[sflag:s15] =	ssyncadd.s32 $0xFFFF8000  }
0x3a: {  	[hbm4b:s9+s12] =	stream.strided.scatter [tilespmem:s2], [sflag:$0x3], $0x8000, s13, s12, $0x38;
	[tilespmem:$0x11100] =	vst v63  }
0x3b: {  	_ =	swait.ge [sflag:s17], $0x8000  }
0x3c: {  	[sflag:s17] =	ssyncset.done $0x0  }
0x3d: {  	s19 =	sadd.s32 $0x1, s19;
	[sflag:s17] =	ssyncadd.s32 $0xFFFF8000  }
0x3e: {  	[hbm4b:s10+s12] =	stream.strided.scatter [tilespmem:s14], [sflag:$0x4], $0x8000, s13, s12, $0x38;
	[tilespmem:$0x11100] =	vst v63  }
0x3f: {  	p0 =	sne.s32 s19, s11;
	_ =	swait.ge [sflag:s16], $0x8000  }
.Ltmp1:
0x40: {  	[sflag:s16] =	ssyncset.done $0x0;
	(pc) =	sbr.rel @p0 .LBB2_1-.Ltmp1, $4  }
0x41: {  	[sflag:s16] =	ssyncadd.s32 $0xFFFF8000  }
0x42: {  	_ =	swait.ge [sflag:s18], $0x8000  }
0x43: {  	[sflag:s18] =	ssyncset.done $0x0  }
0x44: {  	[sflag:s18] =	ssyncadd.s32 $0xFFFF8000  }
0x45: {  	_ =	sfence.sel $0x180000  }
0x46: {  	[bflag:$0x0] =	sbarrier.arrive $0xFFFF  }
0x47: {  	p0 =	sne.s32 s1, $0x0;
	_ =	strace $0x90000047  }
0x48: {  	s0 =	sadd.s32 @!p0 $0x100000, s0;
	[bflag:$0x2] =	sbarrier.arrive $0xFFFF  }
0x49: {  	[sflag:s0] =	ssyncadd.tile.s32 @!p0 $0x1;
	_ =	shalt  }
.Lfunc_end2:
_tile_overlayer_lowered:
.L_overlay_start_2:
0x4a: {  	(tag) =	ssettag $0x2  }
0x4b: {  	s0 =	rddreg [dreg:$0x0];
	s2 =	stileid.u32  }
0x4c: {  	s1 =	rddreg [dreg:$0x1];
	p0 =	sne.s32 s2, $0x0  }
0x4d: {  	s3 =	rddreg [dreg:$0x2];
	[bflag:$0x3] =	sbarrier.arrive $0xFFFF;
	s2 =	simm.s32 @!p0 $0x1C05  }
0x4e: {  	[timem:s3], [sflag:s2] =	dma.local @!p0 [hbm:s0], s1  }
0x4f: {  	s0 =	simm.s32 @!p0 $0x5  }
0x50: {  	_ =	swait.ge @!p0 [sflag:s0], s1  }
0x51: {  	s1 =	ssub.s32 @!p0 $0x0, s1;
	[sflag:s0] =	ssyncset.done @!p0 $0x0  }
0x52: {  	[sflag:s0] =	ssyncadd.s32 @!p0 s1  }
0x53: {  	[bflag:$0x3] =	sbarrier.arrive $0xFFFF  }
0x54: {  	_ =	shalt  }

</sc_bundles>
